<compile_context>
chip_gen: v7x
topology: tpu7x:2x2x1
jax: 0.10.2.dev20260603
libtpu: 0.0.44.dev20260713+nightly
codegen_flags: <defaults>
</compile_context>

<pallas_src>
import functools

import jax
import jax.numpy as jnp
from jax import lax
from jax.experimental import pallas as pl
from jax.experimental.pallas import tpu as pltpu
from jax.experimental.pallas import tpu_sc as plsc

DIM = 64
EPS = 1e-05

NUM_CORES = 2
NUM_SUBCORES = 16
NW = NUM_CORES * NUM_SUBCORES

CHUNK = 128


def _make_gather(batch: int):
  assert batch % (NW * CHUNK) == 0
  b_per_w = batch // NW
  n_chunks = b_per_w // CHUNK
  mesh = plsc.VectorSubcoreMesh(
      core_axis_name="c", subcore_axis_name="s",
      num_cores=NUM_CORES, num_subcores=NUM_SUBCORES)

  @functools.partial(
      pl.kernel,
      out_type=jax.ShapeDtypeStruct((batch, 2 * DIM), jnp.float32),
      mesh=mesh,
      scratch_types=[
          pltpu.VMEM((b_per_w,), jnp.int32),
          pltpu.VMEM((CHUNK, 2 * DIM), jnp.float32),
          pltpu.SemaphoreType.DMA,
      ],
  )
  def gather_kernel(idx_hbm, table_hbm, out_hbm, idx_v, rows_v, sem):
    wid = lax.axis_index("s") * NUM_CORES + lax.axis_index("c")
    base = wid * b_per_w
    pltpu.sync_copy(idx_hbm.at[pl.ds(base, b_per_w)], idx_v)

    @pl.loop(0, n_chunks)
    def _chunk(c):
      off = c * CHUNK
      pltpu.async_copy(
          table_hbm.at[idx_v.at[pl.ds(off, CHUNK)]], rows_v, sem).wait()
      pltpu.sync_copy(rows_v, out_hbm.at[pl.ds(base + off, CHUNK)])

  return gather_kernel


def _ln_body(x_ref, pm_ref, s_ref, b_ref, o_ref):
  g, seq, _ = o_ref.shape
  x = x_ref[...].reshape(g, seq, 2 * DIM)
  pm = pm_ref[...].reshape(g, seq, 1)
  xsel = jnp.where(pm > 0.5, x[:, :, DIM:], x[:, :, :DIM])
  mean = jnp.mean(xsel, axis=-1, keepdims=True)
  var = jnp.mean(jnp.square(xsel - mean), axis=-1, keepdims=True)
  inv = s_ref[...] * lax.rsqrt(var + EPS)
  o_ref[...] = xsel * inv + (b_ref[...] - mean * inv)


def _make_ln(groups: int, seq: int, gblk: int):
  assert groups % gblk == 0
  rblk = gblk * seq
  return pl.pallas_call(
      _ln_body,
      grid=(groups // gblk,),
      in_specs=[
          pl.BlockSpec((rblk, 2 * DIM), lambda i: (i, 0)),
          pl.BlockSpec((gblk, seq), lambda i: (i, 0)),
          pl.BlockSpec((1, 1, DIM), lambda i: (0, 0, 0)),
          pl.BlockSpec((1, 1, DIM), lambda i: (0, 0, 0)),
      ],
      out_specs=pl.BlockSpec((gblk, seq, DIM), lambda i: (i, 0, 0)),
      out_shape=jax.ShapeDtypeStruct((groups, seq, DIM), jnp.float32),
  )


def kernel(inputs, emb_weight, ln_scale, ln_bias):
  groups, seq = inputs.shape
  idx = jnp.asarray(inputs, jnp.int32).reshape(-1)
  table_pad = jnp.pad(emb_weight, ((0, 0), (0, DIM)))
  half = groups // 2
  gather = _make_gather(half * seq)
  ln = _make_ln(half, seq, 64)
  scale = ln_scale.reshape(1, 1, DIM)
  bias = ln_bias.reshape(1, 1, DIM)
  pmask = jnp.zeros((half, seq), jnp.float32)
  outs = []
  for h in range(2):
    packed = gather(idx[h * half * seq:(h + 1) * half * seq], table_pad)
    outs.append(ln(packed, pmask, scale, bias))
  return jnp.concatenate(outs, axis=0)

# --- scband reference (transcript-rebuilt; emitter-appended) ---
"""Pipeline reference for scband-custom-embedding-16200616641144 (READ-ONLY COPY).

The authoritative reference and input builder live on the scoring server;
editing this copy changes nothing except your own understanding.
"""

import jax, jax.numpy as jnp
import numpy as np

VOCAB = 1000000
DIM = 64
EPS = 1e-05


def setup_inputs(seed: int = 0) -> dict:
    key = jax.random.key(seed)
    k_idx, k_emb, k_s, k_b = jax.random.split(key, 4)
    inputs = jax.random.randint(k_idx, (4096, 50), 0, VOCAB, dtype=jnp.int64)
    emb_weight = jax.random.normal(k_emb, (VOCAB, DIM), dtype=jnp.float32) * 0.02
    ln_scale = jax.random.normal(k_s, (DIM,), dtype=jnp.float32) * 0.1 + 1.0
    ln_bias = jax.random.normal(k_b, (DIM,), dtype=jnp.float32) * 0.01
    return {"inputs": inputs, "emb_weight": emb_weight, "ln_scale": ln_scale, "ln_bias": ln_bias}


def reference(inputs, emb_weight, ln_scale, ln_bias):
    # embedding lookup (gather)
    x = jnp.take(emb_weight, inputs, axis=0)
    # layer norm over last axis, matching tf.nn.moments + tf.nn.batch_normalization
    mean = jnp.mean(x, axis=-1, keepdims=True)
    variance = jnp.mean(jnp.square(x - mean), axis=-1, keepdims=True)
    inv = ln_scale * jax.lax.rsqrt(variance + EPS)
    outputs = x * inv + (ln_bias - mean * inv)
    return outputs

if __name__ == "__main__":
    import jax
    _d = setup_inputs()
    print(jax.jit(kernel)(*tuple(_d.values())))

</pallas_src>

<mosaic_0001>
#map = affine_map<(d0, d1) -> (0)>
#map1 = affine_map<(d0, d1) -> (0, 0)>
module attributes {stable_mosaic.version = 14 : i64} {
  func.func @gather_kernel(%arg0: i32, %arg1: i32, %arg2: memref<102400xi32, #tpu.memory_space<hbm>>, %arg3: memref<1000000x128xf32, #tpu.memory_space<hbm>>, %arg4: memref<102400x128xf32, #tpu.memory_space<hbm>>, %arg5: memref<3200xi32, #tpu.memory_space<vmem>>, %arg6: memref<128x128xf32, #tpu.memory_space<vmem>>, %arg7: memref<!tpu.dma_semaphore, #tpu.memory_space<semaphore_mem>>) attributes {dimension_semantics = [#tpu.dimension_semantics<core_parallel>, #tpu.dimension_semantics<subcore_parallel>], iteration_bounds = array<i64: 2, 16>, scalar_prefetch = 0 : i64, scratch_operands = 3 : i64, tpu.core_type = #tpu.core_type<sc_vector_subcore>, window_params = [{transform_indices = #map}, {transform_indices = #map1}, {transform_indices = #map1}]} {
    %mul3A = arith.constant 2 : i32
    %mul3A_0 = arith.muli %arg1, %mul3A : i32
    %add3A = arith.addi %mul3A_0, %arg0 : i32
    %mul3A_1 = arith.constant 3200 : i32
    %mul3A_2 = arith.muli %add3A, %mul3A_1 : i32
    "tpu.region"() ({
      %run_scoped3A = tpu.sem_alloc : memref<!tpu.dma_semaphore, #tpu.memory_space<semaphore_mem>>
      %dma_start3A = tpu.memref_slice %arg2[%mul3A_2] : memref<102400xi32, #tpu.memory_space<hbm>> -> memref<3200xi32, #tpu.memory_space<hbm>>
      %dma_start3A_7 = tpu.memref_slice %arg2[%mul3A_2] : memref<102400xi32, #tpu.memory_space<hbm>> -> memref<3200xi32, #tpu.memory_space<hbm>>
      tpu.enqueue_dma source(%dma_start3A_7 : memref<3200xi32, #tpu.memory_space<hbm>>) target(%arg5 : memref<3200xi32, #tpu.memory_space<vmem>>) target_semaphore(%run_scoped3A : memref<!tpu.dma_semaphore, #tpu.memory_space<semaphore_mem>>)
      %dma_wait3A = tpu.memref_slice %arg2[%mul3A_2] : memref<102400xi32, #tpu.memory_space<hbm>> -> memref<3200xi32, #tpu.memory_space<hbm>>
      %dma_wait3A_8 = tpu.memref_slice %arg2[%mul3A_2] : memref<102400xi32, #tpu.memory_space<hbm>> -> memref<3200xi32, #tpu.memory_space<hbm>>
      tpu.wait_dma2 semaphore(%run_scoped3A : memref<!tpu.dma_semaphore, #tpu.memory_space<semaphore_mem>>) src(%dma_wait3A_8 : memref<3200xi32, #tpu.memory_space<hbm>>) dst(%arg5 : memref<3200xi32, #tpu.memory_space<vmem>>)
      tpu.yield
    }) : () -> ()
    %scan3A = arith.constant 0 : i32
    %scan3A_3 = arith.constant 25 : i32
    %scan3A_4 = arith.addi %scan3A, %scan3A_3 : i32
    %scan3A_5 = arith.constant 1 : i32
    scf.for %scan3A_7 = %scan3A to %scan3A_4 step %scan3A_5  : i32 {
      %mul3A_8 = arith.constant 1 : i32
      %mul3A_9 = arith.muli %scan3A_7, %mul3A_8 : i32
      %add3A_10 = arith.constant 0 : i32
      %add3A_11 = arith.addi %add3A_10, %mul3A_9 : i32
      %mul3A_12 = arith.constant 128 : i32
      %mul3A_13 = arith.muli %add3A_11, %mul3A_12 : i32
      %dma_start3A = tpu.memref_slice %arg5[%mul3A_13] : memref<3200xi32, #tpu.memory_space<vmem>> -> memref<128xi32, #tpu.memory_space<vmem>>
      %dma_start3A_14 = arith.constant 0 : i32
      %dma_start3A_15 = arith.constant 0 : i32
      %dma_start3A_16 = tpu.memref_slice %arg3[%dma_start3A_14, %dma_start3A_15] : memref<1000000x128xf32, #tpu.memory_space<hbm>> -> memref<1000000x128xf32, #tpu.memory_space<hbm>>
      tpu.enqueue_indirect_dma source(%dma_start3A_16 : memref<1000000x128xf32, #tpu.memory_space<hbm>>) target(%arg6 : memref<128x128xf32, #tpu.memory_space<vmem>>) offsets(%dma_start3A : memref<128xi32, #tpu.memory_space<vmem>>) semaphore(%arg7 : memref<!tpu.dma_semaphore, #tpu.memory_space<semaphore_mem>>)
      %dma_wait3A = tpu.memref_slice %arg5[%mul3A_13] : memref<3200xi32, #tpu.memory_space<vmem>> -> memref<128xi32, #tpu.memory_space<vmem>>
      %dma_wait3A_17 = arith.constant 0 : i32
      %dma_wait3A_18 = arith.constant 0 : i32
      %dma_wait3A_19 = tpu.memref_slice %arg3[%dma_wait3A_17, %dma_wait3A_18] : memref<1000000x128xf32, #tpu.memory_space<hbm>> -> memref<1000000x128xf32, #tpu.memory_space<hbm>>
      tpu.wait_indirect_dma semaphore(%arg7 : memref<!tpu.dma_semaphore, #tpu.memory_space<semaphore_mem>>) src(%dma_wait3A_19 : memref<1000000x128xf32, #tpu.memory_space<hbm>>) dst(%arg6 : memref<128x128xf32, #tpu.memory_space<vmem>>)
      %add3A_20 = arith.addi %mul3A_2, %mul3A_13 : i32
      "tpu.region"() ({
        %run_scoped3A = tpu.sem_alloc : memref<!tpu.dma_semaphore, #tpu.memory_space<semaphore_mem>>
        %dma_start3A_21 = arith.constant 0 : i32
        %dma_start3A_22 = tpu.memref_slice %arg4[%add3A_20, %dma_start3A_21] : memref<102400x128xf32, #tpu.memory_space<hbm>> -> memref<128x128xf32, #tpu.memory_space<hbm>>
        %dma_start3A_23 = arith.constant 0 : i32
        %dma_start3A_24 = tpu.memref_slice %arg4[%add3A_20, %dma_start3A_23] : memref<102400x128xf32, #tpu.memory_space<hbm>> -> memref<128x128xf32, #tpu.memory_space<hbm>>
        tpu.enqueue_dma source(%arg6 : memref<128x128xf32, #tpu.memory_space<vmem>>) target(%dma_start3A_24 : memref<128x128xf32, #tpu.memory_space<hbm>>) target_semaphore(%run_scoped3A : memref<!tpu.dma_semaphore, #tpu.memory_space<semaphore_mem>>)
        %dma_wait3A_25 = arith.constant 0 : i32
        %dma_wait3A_26 = tpu.memref_slice %arg4[%add3A_20, %dma_wait3A_25] : memref<102400x128xf32, #tpu.memory_space<hbm>> -> memref<128x128xf32, #tpu.memory_space<hbm>>
        %dma_wait3A_27 = arith.constant 0 : i32
        %dma_wait3A_28 = tpu.memref_slice %arg4[%add3A_20, %dma_wait3A_27] : memref<102400x128xf32, #tpu.memory_space<hbm>> -> memref<128x128xf32, #tpu.memory_space<hbm>>
        tpu.wait_dma2 semaphore(%run_scoped3A : memref<!tpu.dma_semaphore, #tpu.memory_space<semaphore_mem>>) src(%arg6 : memref<128x128xf32, #tpu.memory_space<vmem>>) dst(%dma_wait3A_28 : memref<128x128xf32, #tpu.memory_space<hbm>>)
        tpu.yield
      }) : () -> ()
    }
    %scan3A_6 = arith.constant 25 : i32
    return
  }
}

#map = affine_map<(d0, d1) -> (0)>
#map1 = affine_map<(d0, d1) -> (0, 0)>
module attributes {stable_mosaic.version = 14 : i64} {
  func.func @gather_kernel(%arg0: i32, %arg1: i32, %arg2: memref<102400xi32, #tpu.memory_space<hbm>>, %arg3: memref<1000000x128xf32, #tpu.memory_space<hbm>>, %arg4: memref<102400x128xf32, #tpu.memory_space<hbm>>, %arg5: memref<3200xi32, #tpu.memory_space<vmem>>, %arg6: memref<128x128xf32, #tpu.memory_space<vmem>>, %arg7: memref<!tpu.dma_semaphore, #tpu.memory_space<semaphore_mem>>) attributes {dimension_semantics = [#tpu.dimension_semantics<core_parallel>, #tpu.dimension_semantics<subcore_parallel>], iteration_bounds = array<i64: 2, 16>, scalar_prefetch = 0 : i64, scratch_operands = 3 : i64, tpu.core_type = #tpu.core_type<sc_vector_subcore>, window_params = [{transform_indices = #map}, {transform_indices = #map1}, {transform_indices = #map1}]} {
    %mul3A = arith.constant 2 : i32
    %mul3A_0 = arith.muli %arg1, %mul3A : i32
    %add3A = arith.addi %mul3A_0, %arg0 : i32
    %mul3A_1 = arith.constant 3200 : i32
    %mul3A_2 = arith.muli %add3A, %mul3A_1 : i32
    "tpu.region"() ({
      %run_scoped3A = tpu.sem_alloc : memref<!tpu.dma_semaphore, #tpu.memory_space<semaphore_mem>>
      %dma_start3A = tpu.memref_slice %arg2[%mul3A_2] : memref<102400xi32, #tpu.memory_space<hbm>> -> memref<3200xi32, #tpu.memory_space<hbm>>
      %dma_start3A_7 = tpu.memref_slice %arg2[%mul3A_2] : memref<102400xi32, #tpu.memory_space<hbm>> -> memref<3200xi32, #tpu.memory_space<hbm>>
      tpu.enqueue_dma source(%dma_start3A_7 : memref<3200xi32, #tpu.memory_space<hbm>>) target(%arg5 : memref<3200xi32, #tpu.memory_space<vmem>>) target_semaphore(%run_scoped3A : memref<!tpu.dma_semaphore, #tpu.memory_space<semaphore_mem>>)
      %dma_wait3A = tpu.memref_slice %arg2[%mul3A_2] : memref<102400xi32, #tpu.memory_space<hbm>> -> memref<3200xi32, #tpu.memory_space<hbm>>
      %dma_wait3A_8 = tpu.memref_slice %arg2[%mul3A_2] : memref<102400xi32, #tpu.memory_space<hbm>> -> memref<3200xi32, #tpu.memory_space<hbm>>
      tpu.wait_dma2 semaphore(%run_scoped3A : memref<!tpu.dma_semaphore, #tpu.memory_space<semaphore_mem>>) src(%dma_wait3A_8 : memref<3200xi32, #tpu.memory_space<hbm>>) dst(%arg5 : memref<3200xi32, #tpu.memory_space<vmem>>)
      tpu.yield
    }) : () -> ()
    %scan3A = arith.constant 0 : i32
    %scan3A_3 = arith.constant 25 : i32
    %scan3A_4 = arith.addi %scan3A, %scan3A_3 : i32
    %scan3A_5 = arith.constant 1 : i32
    scf.for %scan3A_7 = %scan3A to %scan3A_4 step %scan3A_5  : i32 {
      %mul3A_8 = arith.constant 1 : i32
      %mul3A_9 = arith.muli %scan3A_7, %mul3A_8 : i32
      %add3A_10 = arith.constant 0 : i32
      %add3A_11 = arith.addi %add3A_10, %mul3A_9 : i32
      %mul3A_12 = arith.constant 128 : i32
      %mul3A_13 = arith.muli %add3A_11, %mul3A_12 : i32
      %dma_start3A = tpu.memref_slice %arg5[%mul3A_13] : memref<3200xi32, #tpu.memory_space<vmem>> -> memref<128xi32, #tpu.memory_space<vmem>>
      %dma_start3A_14 = arith.constant 0 : i32
      %dma_start3A_15 = arith.constant 0 : i32
      %dma_start3A_16 = tpu.memref_slice %arg3[%dma_start3A_14, %dma_start3A_15] : memref<1000000x128xf32, #tpu.memory_space<hbm>> -> memref<1000000x128xf32, #tpu.memory_space<hbm>>
      tpu.enqueue_indirect_dma source(%dma_start3A_16 : memref<1000000x128xf32, #tpu.memory_space<hbm>>) target(%arg6 : memref<128x128xf32, #tpu.memory_space<vmem>>) offsets(%dma_start3A : memref<128xi32, #tpu.memory_space<vmem>>) semaphore(%arg7 : memref<!tpu.dma_semaphore, #tpu.memory_space<semaphore_mem>>)
      %dma_wait3A = tpu.memref_slice %arg5[%mul3A_13] : memref<3200xi32, #tpu.memory_space<vmem>> -> memref<128xi32, #tpu.memory_space<vmem>>
      %dma_wait3A_17 = arith.constant 0 : i32
      %dma_wait3A_18 = arith.constant 0 : i32
      %dma_wait3A_19 = tpu.memref_slice %arg3[%dma_wait3A_17, %dma_wait3A_18] : memref<1000000x128xf32, #tpu.memory_space<hbm>> -> memref<1000000x128xf32, #tpu.memory_space<hbm>>
      tpu.wait_indirect_dma semaphore(%arg7 : memref<!tpu.dma_semaphore, #tpu.memory_space<semaphore_mem>>) src(%dma_wait3A_19 : memref<1000000x128xf32, #tpu.memory_space<hbm>>) dst(%arg6 : memref<128x128xf32, #tpu.memory_space<vmem>>)
      %add3A_20 = arith.addi %mul3A_2, %mul3A_13 : i32
      "tpu.region"() ({
        %run_scoped3A = tpu.sem_alloc : memref<!tpu.dma_semaphore, #tpu.memory_space<semaphore_mem>>
        %dma_start3A_21 = arith.constant 0 : i32
        %dma_start3A_22 = tpu.memref_slice %arg4[%add3A_20, %dma_start3A_21] : memref<102400x128xf32, #tpu.memory_space<hbm>> -> memref<128x128xf32, #tpu.memory_space<hbm>>
        %dma_start3A_23 = arith.constant 0 : i32
        %dma_start3A_24 = tpu.memref_slice %arg4[%add3A_20, %dma_start3A_23] : memref<102400x128xf32, #tpu.memory_space<hbm>> -> memref<128x128xf32, #tpu.memory_space<hbm>>
        tpu.enqueue_dma source(%arg6 : memref<128x128xf32, #tpu.memory_space<vmem>>) target(%dma_start3A_24 : memref<128x128xf32, #tpu.memory_space<hbm>>) target_semaphore(%run_scoped3A : memref<!tpu.dma_semaphore, #tpu.memory_space<semaphore_mem>>)
        %dma_wait3A_25 = arith.constant 0 : i32
        %dma_wait3A_26 = tpu.memref_slice %arg4[%add3A_20, %dma_wait3A_25] : memref<102400x128xf32, #tpu.memory_space<hbm>> -> memref<128x128xf32, #tpu.memory_space<hbm>>
        %dma_wait3A_27 = arith.constant 0 : i32
        %dma_wait3A_28 = tpu.memref_slice %arg4[%add3A_20, %dma_wait3A_27] : memref<102400x128xf32, #tpu.memory_space<hbm>> -> memref<128x128xf32, #tpu.memory_space<hbm>>
        tpu.wait_dma2 semaphore(%run_scoped3A : memref<!tpu.dma_semaphore, #tpu.memory_space<semaphore_mem>>) src(%arg6 : memref<128x128xf32, #tpu.memory_space<vmem>>) dst(%dma_wait3A_28 : memref<128x128xf32, #tpu.memory_space<hbm>>)
        tpu.yield
      }) : () -> ()
    }
    %scan3A_6 = arith.constant 25 : i32
    return
  }
}

module attributes {stable_mosaic.version = 14 : i64} {
  func.func @_ln_body(%arg0: i32, %arg1: memref<3200x128xf32, #tpu.memory_space<vmem>>, %arg2: memref<64x50xf32, #tpu.memory_space<vmem>>, %arg3: memref<1x1x64xf32, #tpu.memory_space<vmem>>, %arg4: memref<1x1x64xf32, #tpu.memory_space<vmem>>, %arg5: memref<64x50x64xf32, #tpu.memory_space<vmem>>) attributes {dimension_semantics = [#tpu.dimension_semantics<arbitrary>], iteration_bounds = array<i64: 32>, scalar_prefetch = 0 : i64, scratch_operands = 0 : i64, tpu.core_type = #tpu.core_type<tc>, window_params = [{transform_indices = @transform_0, window_bounds = array<i64: 3200, 128>}, {transform_indices = @transform_1, window_bounds = array<i64: 64, 50>}, {pipeline_mode = #tpu.pipeline_mode<synchronous>, transform_indices = @transform_2, window_bounds = array<i64: 1, 1, 64>}, {pipeline_mode = #tpu.pipeline_mode<synchronous>, transform_indices = @transform_3, window_bounds = array<i64: 1, 1, 64>}, {transform_indices = @transform_4, window_bounds = array<i64: 64, 50, 64>}]} {
    %get3A = arith.constant 0 : index
    %get3A_0 = arith.constant 0 : index
    %get3A_1 = vector.load %arg1[%get3A, %get3A_0] : memref<3200x128xf32, #tpu.memory_space<vmem>>, vector<3200x128xf32>
    %reshape3A = vector.shape_cast %get3A_1 : vector<3200x128xf32> to vector<64x50x128xf32>
    %get3A_2 = arith.constant 0 : index
    %get3A_3 = arith.constant 0 : index
    %get3A_4 = vector.load %arg2[%get3A_2, %get3A_3] : memref<64x50xf32, #tpu.memory_space<vmem>>, vector<64x50xf32>
    %reshape3A_5 = vector.shape_cast %get3A_4 : vector<64x50xf32> to vector<64x50x1xf32>
    %gt3A = arith.constant 5.000000e-01 : f32
    %gt3A_6 = vector.broadcast %gt3A : f32 to vector<64x50x1xf32>
    %gt3A_7 = arith.cmpf ogt, %reshape3A_5, %gt3A_6 : vector<64x50x1xf32>
    %slice3A = vector.extract_strided_slice %reshape3A {offsets = [0, 0, 64], sizes = [64, 50, 64], strides = [1, 1, 1]} : vector<64x50x128xf32> to vector<64x50x64xf32>
    %slice3A_8 = vector.extract_strided_slice %reshape3A {offsets = [0, 0, 0], sizes = [64, 50, 64], strides = [1, 1, 1]} : vector<64x50x128xf32> to vector<64x50x64xf32>
    %broadcast_in_dim3A = vector.shape_cast %gt3A_7 : vector<64x50x1xi1> to vector<64x50x1xi1>
    %broadcast_in_dim3A_9 = vector.broadcast %broadcast_in_dim3A : vector<64x50x1xi1> to vector<64x50x64xi1>
    %select_n3A = arith.select %broadcast_in_dim3A_9, %slice3A, %slice3A_8 : vector<64x50x64xi1>, vector<64x50x64xf32>
    %reduce_sum3A = arith.constant dense<0.000000e+00> : vector<64x50xf32>
    %reduce_sum3A_10 = vector.multi_reduction <add>, %select_n3A, %reduce_sum3A [2] : vector<64x50x64xf32> to vector<64x50xf32>
    %broadcast_in_dim3A_11 = vector.shape_cast %reduce_sum3A_10 : vector<64x50xf32> to vector<64x50x1xf32>
    %div3A = arith.constant 6.400000e+01 : f32
    %div3A_12 = vector.broadcast %div3A : f32 to vector<64x50x1xf32>
    %div3A_13 = arith.divf %broadcast_in_dim3A_11, %div3A_12 : vector<64x50x1xf32>
    %sub3A = vector.broadcast %div3A_13 : vector<64x50x1xf32> to vector<64x50x64xf32>
    %sub3A_14 = arith.subf %select_n3A, %sub3A : vector<64x50x64xf32>
    %square3A = arith.mulf %sub3A_14, %sub3A_14 : vector<64x50x64xf32>
    %reduce_sum3A_15 = arith.constant dense<0.000000e+00> : vector<64x50xf32>
    %reduce_sum3A_16 = vector.multi_reduction <add>, %square3A, %reduce_sum3A_15 [2] : vector<64x50x64xf32> to vector<64x50xf32>
    %broadcast_in_dim3A_17 = vector.shape_cast %reduce_sum3A_16 : vector<64x50xf32> to vector<64x50x1xf32>
    %div3A_18 = arith.constant 6.400000e+01 : f32
    %div3A_19 = vector.broadcast %div3A_18 : f32 to vector<64x50x1xf32>
    %div3A_20 = arith.divf %broadcast_in_dim3A_17, %div3A_19 : vector<64x50x1xf32>
    %get3A_21 = arith.constant 0 : index
    %get3A_22 = arith.constant 0 : index
    %get3A_23 = arith.constant 0 : index
    %get3A_24 = vector.load %arg3[%get3A_21, %get3A_22, %get3A_23] : memref<1x1x64xf32, #tpu.memory_space<vmem>>, vector<1x1x64xf32>
    %add3A = arith.constant 9.99999974E-6 : f32
    %add3A_25 = vector.broadcast %add3A : f32 to vector<64x50x1xf32>
    %add3A_26 = arith.addf %div3A_20, %add3A_25 : vector<64x50x1xf32>
    %rsqrt3A = math.rsqrt %add3A_26 : vector<64x50x1xf32>
    %mul3A = vector.broadcast %get3A_24 : vector<1x1x64xf32> to vector<64x50x64xf32>
    %mul3A_27 = vector.broadcast %rsqrt3A : vector<64x50x1xf32> to vector<64x50x64xf32>
    %mul3A_28 = arith.mulf %mul3A, %mul3A_27 : vector<64x50x64xf32>
    %mul3A_29 = arith.mulf %select_n3A, %mul3A_28 : vector<64x50x64xf32>
    %get3A_30 = arith.constant 0 : index
    %get3A_31 = arith.constant 0 : index
    %get3A_32 = arith.constant 0 : index
    %get3A_33 = vector.load %arg4[%get3A_30, %get3A_31, %get3A_32] : memref<1x1x64xf32, #tpu.memory_space<vmem>>, vector<1x1x64xf32>
    %mul3A_34 = vector.broadcast %div3A_13 : vector<64x50x1xf32> to vector<64x50x64xf32>
    %mul3A_35 = arith.mulf %mul3A_34, %mul3A_28 : vector<64x50x64xf32>
    %sub3A_36 = vector.broadcast %get3A_33 : vector<1x1x64xf32> to vector<64x50x64xf32>
    %sub3A_37 = arith.subf %sub3A_36, %mul3A_35 : vector<64x50x64xf32>
    %add3A_38 = arith.addf %mul3A_29, %sub3A_37 : vector<64x50x64xf32>
    %swap3A = arith.constant 0 : index
    %swap3A_39 = arith.constant 0 : index
    %swap3A_40 = arith.constant 0 : index
    %swap3A_41 = vector.load %arg5[%swap3A, %swap3A_39, %swap3A_40] : memref<64x50x64xf32, #tpu.memory_space<vmem>>, vector<64x50x64xf32>
    tpu.vector_store %arg5[%swap3A, %swap3A_39, %swap3A_40], %add3A_38 {strides = array<i32>} : memref<64x50x64xf32, #tpu.memory_space<vmem>>, vector<64x50x64xf32>,
    return
  }
  func.func @transform_0(%arg0: i32) -> (i32, i32) {
    %c0_i32 = arith.constant 0 : i32
    %c0_i32_0 = arith.constant 0 : i32
    return %arg0, %c0_i32 : i32, i32
  }
  func.func @transform_1(%arg0: i32) -> (i32, i32) {
    %c0_i32 = arith.constant 0 : i32
    %c0_i32_0 = arith.constant 0 : i32
    return %arg0, %c0_i32 : i32, i32
  }
  func.func @transform_2(%arg0: i32) -> (i32, i32, i32) {
    %c0_i32 = arith.constant 0 : i32
    %c0_i32_0 = arith.constant 0 : i32
    %c0_i32_1 = arith.constant 0 : i32
    %c0_i32_2 = arith.constant 0 : i32
    return %c0_i32, %c0_i32_0, %c0_i32_1 : i32, i32, i32
  }
  func.func @transform_3(%arg0: i32) -> (i32, i32, i32) {
    %c0_i32 = arith.constant 0 : i32
    %c0_i32_0 = arith.constant 0 : i32
    %c0_i32_1 = arith.constant 0 : i32
    %c0_i32_2 = arith.constant 0 : i32
    return %c0_i32, %c0_i32_0, %c0_i32_1 : i32, i32, i32
  }
  func.func @transform_4(%arg0: i32) -> (i32, i32, i32) {
    %c0_i32 = arith.constant 0 : i32
    %c0_i32_0 = arith.constant 0 : i32
    %c0_i32_1 = arith.constant 0 : i32
    return %arg0, %c0_i32, %c0_i32_0 : i32, i32, i32
  }
}

</mosaic_0001>

<sc_bundles>
// kernel: kernel.6.cloned.1.call-start
scs
__scs_entry_jumppad:
0x0: {  	(pc) =	sbr.rel $0x88, $3  }
0x1: {  	(tag) =	ssettag $0x0;
	lr =	simm.s32 $0x1  }
0x2: {  	[smem:$0x3F9D] =	sst lr;
	_ =	strace $0xD0000000  }
0x3: {  	_ = 	snop  }
0x4: {  	_ = 	snop  }
0x5: {  	_ = 	snop  }
0x6: {  	_ = 	snop  }
0x7: {  	_ = 	snop  }
__scs_overlays_trampoline_lowered:
0x8: {  	[smem:$0x3FAC] =	sst s0  }
0x9: {  	[smem:$0x3FAD] =	sst s1  }
0xa: {  	[smem:$0x3FAE] =	sst s2  }
0xb: {  	[smem:$0x3FAF] =	sst s3  }
0xc: {  	[smem:$0x3FB0] =	sst s4  }
0xd: {  	[smem:$0x3FB1] =	sst s5  }
0xe: {  	[smem:$0x3FB2] =	sst s6  }
0xf: {  	[smem:$0x3FB3] =	sst s7  }
0x10: {  	[smem:$0x3FB4] =	sst s8  }
0x11: {  	[smem:$0x3FB5] =	sst s9;
	s0 =	simm.s32 @!p0 $0x0  }
0x12: {  	s1 =	sld [smem:$0x3F9B];
	s0 =	simm.s32 @p0 $0x1  }
0x13: {  	[smem:$0x3FB6] =	sst s0;
	s0 =	simm.s32 @!p1 $0x0  }
0x14: {  	s2 =	sld [smem:$0x3F9A];
	s0 =	simm.s32 @p1 $0x1  }
0x15: {  	[smem:$0x3FB7] =	sst s0;
	s0 =	simm.s32 @!p2 $0x0  }
0x16: {  	s3 =	sld [smem:$0x3FDB];
	s0 =	simm.s32 @p2 $0x1  }
0x17: {  	s4 =	simm.s32 $0x1BF5;
	[smem:$0x3FB9] =	sst s0  }
0x18: {  	s0 =	sld [smem:$0x3F9C];
	_ =	swait.ge [sflag:s4], $0x0  }
0x19: {  	s7 =	sld [smem:$0x3F9D]  }
0x1a: {  	s8 =	sadd.s32 $0xFFFFE003, lr  }
0x1b: {  	s9 =	sadd.s32 $0xFFFFFEF7, lr;
	s5 =	simm.s32 $0xFFFFFFFF;
	p2 =	slt.u32 s8, $0xFFFFF086  }
0x1c: {  	p1 =	slt.u32 s9, $0xF7A;
	s5 =	simm.s32 @!p2 $0x0  }
0x1d: {  	s5 =	simm.s32 @p1 $0x1;
	p0 =	seq.s32 s7, s2  }
0x1e: {  	s7 =	smul.u32 @!p0 $0xF7A, s2;
	p2 =	seq.s32 @!p0 s5, $0x0  }
0x1f: {  	s9 =	smul.u32 $0xF7A, s1;
	s8 =	simm.s32 @!p0 $0x1BF5;
	p2 =	por !p2, p0  }
0x20: {  	[sflag:s8] =	ssyncset.s32 @!p0 $0xFFFFF086;
	s6 =	sadd.s32 @!p0 s3, s7;
	s7 =	simm.s32 @!p0 $0x108  }
0x21: {  	s3 =	sadd.s32 s3, s9;
	s6 =	sadd.s32 @!p0 $0x88, s6;
	s7 =	simm.s32 @p2 $0x1082  }
0x22: {  	[simem:s7], [sflag:s8] =	dma.local @!p0 [hbm:s6], $0xF7A  }
0x23: {  	s9 =	sor.u32 $0xD0000000, s2;
	s6 =	simm.s32 $0x108;
	_ =	swait.ge @!p0 [sflag:s8], $0x0  }
0x24: {  	s3 =	sadd.s32 $0x88, s3;
	s6 =	simm.s32 @!p1 $0x1082;
	[sflag:s4] =	ssyncset.s32 $0xFFFFF086  }
0x25: {  	[simem:s6], [sflag:s4] =	dma.local [hbm:s3], $0xF7A  }
0x26: {  	[smem:$0x3F9D] =	sst s1;
	(tag) =	ssettag s2;
	_ =	strace s9  }
0x27: {  	s1 =	sld [smem:$0x3FAD]  }
0x28: {  	s2 =	sld [smem:$0x3FAE]  }
0x29: {  	s4 =	sld [smem:$0x3FB0]  }
0x2a: {  	p0 =	seq.s32 s5, $0x0;
	s5 =	sld [smem:$0x3FB1]  }
0x2b: {  	s6 =	sld [smem:$0x3FB2]  }
0x2c: {  	s7 =	sld [smem:$0x3FB3]  }
0x2d: {  	s3 =	simm.s32 $0x108;
	s8 =	sld [smem:$0x3FB4]  }
0x2e: {  	s3 =	simm.s32 @!p0 $0x1082;
	s9 =	sld [smem:$0x3FB5]  }
0x2f: {  	lr =	sadd.s32 s0, s3;
	s0 =	sld [smem:$0x3FAC]  }
0x30: {  	s3 =	sld [smem:$0x3FAF]  }
0x31: {  	[smem:$0x3FB8] =	sst s10  }
0x32: {  	s10 =	sld [smem:$0x3FB6];
	_ =	sdelay $0x3  }
0x33: {  	p0 =	seq.s32 s10, $0x1;
	s10 =	sld [smem:$0x3FB8];
	_ =	sdelay $0x3  }
0x34: {  	[smem:$0x3FB8] =	sst s10  }
0x35: {  	s10 =	sld [smem:$0x3FB7];
	_ =	sdelay $0x3  }
0x36: {  	p1 =	seq.s32 s10, $0x1;
	s10 =	sld [smem:$0x3FB8];
	_ =	sdelay $0x3  }
0x37: {  	[smem:$0x3FB8] =	sst s10  }
0x38: {  	s10 =	sld [smem:$0x3FB9]  }
0x39: {  	_ = 	snop;
	(pc) =	sbr.ind lr, $3  }
0x3a: {  	_ = 	snop  }
0x3b: {  	_ = 	snop  }
0x3c: {  	p2 =	seq.s32 s10, $0x1;
	s10 =	sld [smem:$0x3FB8]  }
0x3d: {  	_ =	shalt  }
0x3e: {  	_ =	shalt  }
0x3f: {  	_ =	shalt  }
0x40: {  	_ =	shalt  }
0x41: {  	_ =	shalt  }
0x42: {  	_ =	shalt  }
0x43: {  	_ =	shalt  }
0x44: {  	_ =	shalt  }
0x45: {  	_ =	shalt  }
0x46: {  	_ =	shalt  }
0x47: {  	_ =	shalt  }
0x48: {  	_ =	shalt  }
0x49: {  	_ =	shalt  }
0x4a: {  	_ =	shalt  }
0x4b: {  	_ =	shalt  }
0x4c: {  	_ =	shalt  }
0x4d: {  	_ =	shalt  }
0x4e: {  	_ =	shalt  }
0x4f: {  	_ =	shalt  }
0x50: {  	_ =	shalt  }
0x51: {  	_ =	shalt  }
0x52: {  	_ =	shalt  }
0x53: {  	_ =	shalt  }
0x54: {  	_ =	shalt  }
0x55: {  	_ =	shalt  }
0x56: {  	_ =	shalt  }
0x57: {  	_ =	shalt  }
0x58: {  	_ =	shalt  }
0x59: {  	_ =	shalt  }
0x5a: {  	_ =	shalt  }
0x5b: {  	_ =	shalt  }
0x5c: {  	_ =	shalt  }
0x5d: {  	_ =	shalt  }
0x5e: {  	_ =	shalt  }
0x5f: {  	_ =	shalt  }
0x60: {  	_ =	shalt  }
0x61: {  	_ =	shalt  }
0x62: {  	_ =	shalt  }
0x63: {  	_ =	shalt  }
0x64: {  	_ =	shalt  }
0x65: {  	_ =	shalt  }
0x66: {  	_ =	shalt  }
0x67: {  	_ =	shalt  }
0x68: {  	_ =	shalt  }
0x69: {  	_ =	shalt  }
0x6a: {  	_ =	shalt  }
0x6b: {  	_ =	shalt  }
0x6c: {  	_ =	shalt  }
0x6d: {  	_ =	shalt  }
0x6e: {  	_ =	shalt  }
0x6f: {  	_ =	shalt  }
0x70: {  	_ =	shalt  }
0x71: {  	_ =	shalt  }
0x72: {  	_ =	shalt  }
0x73: {  	_ =	shalt  }
0x74: {  	_ =	shalt  }
0x75: {  	_ =	shalt  }
0x76: {  	_ =	shalt  }
0x77: {  	_ =	shalt  }
0x78: {  	_ =	shalt  }
0x79: {  	_ =	shalt  }
0x7a: {  	_ =	shalt  }
0x7b: {  	_ =	shalt  }
0x7c: {  	_ =	shalt  }
0x7d: {  	_ =	shalt  }
0x7e: {  	_ =	shalt  }
0x7f: {  	_ =	shalt  }
0x80: {  	_ =	shalt  }
0x81: {  	_ =	shalt  }
0x82: {  	_ =	shalt  }
0x83: {  	_ =	shalt  }
0x84: {  	_ =	shalt  }
0x85: {  	_ =	shalt  }
0x86: {  	_ =	shalt  }
0x87: {  	_ =	shalt  }
.Lfunc_end0:
.L_simem_size_0:
called_computation_lowered:
.L_overlay_start_0:
0x88: {  	s2 =	sld [smem:$0x3FD9]  }
0x89: {  	s3 =	sld [smem:$0x3FFE];
	_ =	sdelay $0x1  }
0x8a: {  	s1 =	srdreg.scid  }
0x8b: {  	s0 =	sand.u32 $0x1, s1  }
0x8c: {  	s17 =	sshll.u32 s0, $0xA;
	s2 =	sadd.s32 s3, s2  }
0x8d: {  	s2 =	sadd.s32 s2, s17  }
0x8e: {  	[smem:$0x3FC4] =	sst s2  }
0x8f: {  	_ = 	snop  }
0x90: {  	s18 =	sld [smem:$0x3FD0];
	(tm) =	ssettm $0x1  }
0x91: {  	s19 =	sld [smem:$0x3FFB];
	_ =	sdelay $0x3  }
0x92: {  	_ =	strace s19  }
0x93: {  	s2 =	sld [smem:$0x3FFC];
	_ =	sdelay $0x3  }
0x94: {  	_ =	strace s2  }
0x95: {  	s2 =	sld [smem:$0x3FFD];
	_ =	sdelay $0x3  }
0x96: {  	_ =	strace s2  }
0x97: {  	_ =	strace $0x8FFFFFFF  }
0x98: {  	s20 =	sld [smem:$0x3FDB];
	_ =	sdelay $0x1  }
0x99: {  	s4 =	simm.s32 $_scs_section_size  }
0x9a: {  	s5 =	simm.s32 $_size__tile_overlayer_lowered;
	s6 =	simm.s32 $_tile_overlayer_lowered  }
0x9b: {  	s7 =	simm.s32 $0x1BFF;
	s21 =	sshll.u32 s6, $0x1;
	s4 =	sadd.s32 s4, s20  }
0x9c: {  	s22 =	simm.s32 $0x0;
	s5 =	sshll.u32 s5, $0x1;
	s6 =	sadd.s32 s21, s4  }
0x9d: {  	[timem:s22], [sflag:s7] =	dma.local [hbm:s6], s5  }
0x9e: {  	_ =	swait.ge [sflag:s7], s5  }
0x9f: {  	s5 =	ssub.s32 $0x0, s5;
	[sflag:s7] =	ssyncset.done $0x0  }
0xa0: {  	[sflag:s7] =	ssyncadd.s32 s5;
	_ =	sdelay $0x1  }
0xa1: {  	s23 =	simm.s32 $0x1B8B  }
0xa2: {  	_ =	swait.ge [sflag:s23], $0x1  }
0xa3: {  	[sflag:s23] =	ssyncset.done $0x0  }
0xa4: {  	[sflag:s23] =	ssyncadd.s32 $0xFFFFFFFF  }
0xa5: {  	s5 =	sld [smem:$0x0]  }
0xa6: {  	s6 =	sand.u32 $0xFFFFFFFE, s1  }
0xa7: {  	p0 =	sne.s32 s1, s6  }
0xa8: {  	s6 =	sshll.u32 @p0 s6, $0xE  }
0xa9: {  	s6 =	sadd.s32 @p0 $0x11B8D, s6;
	s7 =	sshll.u32 @p0 s5, $0x11  }
0xaa: {  	s6 =	sor.u32 @p0 s7, s6  }
0xab: {  	[sflag:s6] =	ssyncadd.remote.s32 @p0 $0x1;
	_ =	sdelay $0x1  }
0xac: {  	s6 =	simm.s32 @p0 $0x1B8D  }
0xad: {  	_ =	swait.eq @p0 [sflag:s6], $0x1  }
0xae: {  	[sflag:s6] =	ssyncadd.s32 @p0 $0xFFFFFFFF  }
0xaf: {  	s7 =	sshll.u32 @!p0 s1, $0xE  }
0xb0: {  	s7 =	sor.u32 @!p0 $0x4000, s7;
	s6 =	simm.s32 @!p0 $0x1B8D  }
0xb1: {  	s5 =	sshll.u32 @!p0 s5, $0x11;
	s7 =	sadd.s32 @!p0 $0x11B8D, s7;
	_ =	swait.eq @!p0 [sflag:s6], $0x1  }
0xb2: {  	s5 =	sor.u32 @!p0 s5, s7;
	[sflag:s6] =	ssyncadd.s32 @!p0 $0xFFFFFFFF  }
0xb3: {  	s25 =	simm.s32 $0x1B8E;
	s24 =	sld [smem:$0x3FFE];
	[sflag:s5] =	ssyncadd.remote.s32 @!p0 $0x1  }
0xb4: {  	s26 =	simm.s32 $execute0_lowered;
	[smem:$0x3FD2] =	sst s25  }
0xb5: {  	s6 =	sshll.u32 s26, $0x1;
	_ =	strace $0x80000049;
	[dreg:$0x1] =	wrdreg $0xFFFFFFFF  }
0xb6: {  	s28 =	simm.s32 $_size_execute0_lowered;
	s4 =	sadd.s32 s4, s6;
	[dreg:$0x0] =	wrdreg $0x0  }
0xb7: {  	s6 =	sshll.u32 s28, $0x1;
	[dreg:$0x2] =	wrdreg s4  }
0xb8: {  	[dreg:$0x3] =	wrdreg s6  }
0xb9: {  	[dreg:$0x4] =	wrdreg $0xC0  }
0xba: {  	_ =	task [dreg:s22], $0x5FFFF  }
0xbb: {  	[dreg:$0x1] =	wrdreg $0xFFFFFFFF  }
0xbc: {  	[dreg:$0x0] =	wrdreg $0x60  }
0xbd: {  	[dreg:$0x2] =	wrdreg s24  }
0xbe: {  	[dreg:$0x3] =	wrdreg s18  }
0xbf: {  	[dreg:$0x4] =	wrdreg $0x9  }
0xc0: {  	_ =	task.clear_ibuf [dreg:s22], $0x5FFFF;
	_ =	strace $0x90000049  }
0xc1: {  	s29 =	simm.s32 $0x9;
	_ =	strace $0x8000004B  }
0xc2: {  	_ =	swait.ge [sflag:s29], $0x1  }
0xc3: {  	[sflag:s29] =	ssyncadd.s32 $0xFFFFFFFF  }
0xc4: {  	_ =	strace $0x9000004B  }
0xc5: {  	_ =	sfence  }
0xc6: {  	s30 =	sld [smem:$0x0];
	_ =	sdelay $0x2  }
0xc7: {  	s31 =	sshll.u32 s1, $0xD;
	s1 =	sshrl.u32 s1, $0x2  }
0xc8: {  	s4 =	sand.u32 $0x4000, s31;
	s1 =	sadd.s32 s1, s30  }
0xc9: {  	s0 =	sor.u32 s4, s0;
	s1 =	sshll.u32 s1, $0x11  }
0xca: {  	s0 =	sor.u32 s1, s0  }
0xcb: {  	s0 =	sadd.s32 $0x8F2B, s0  }
0xcc: {  	[sflag:s0] =	ssyncadd.remote.s32 $0x1  }
0xcd: {  	_ =	sfence.sel $0xFFFF  }
0xce: {  	[dreg:$0x0] =	wrdreg $0xFFFFFFFF;
	(pc) =	sbr.abs _section_cstart, $3  }
0xcf: {  	[dreg:$0x1] =	wrdreg $0xFFFFFFFF  }
0xd0: {  	_ =	task.clear_ibuf [dreg:s22], $0x2FFFF;
	_ =	strace $0x9FFFFFFF  }
0xd1: {  	(tm) =	ssettm $0x7FFFFFFF  }
tec
execute0_lowered:
.L_overlay_start_1:
0x0: {  	(tag) =	ssettag $0x1  }
0x1: {  	s1 =	srdreg.scid;
	s4 =	rddreg [dreg:$0x0]  }
0x2: {  	s0 =	stileid.u32;
	s6 =	rddreg [dreg:$0x1];
	s2 =	simm.s32 $0x0  }
0x3: {  	s11 =	simm.s32 $0x0;
	s3 =	sand.u32 $0x1, s1;
	s31 =	sshll.u32 s0, $0x1  }
0x4: {  	s7 =	smul.u32 $0xC8000, s0;
	[smem:$0x7FF] =	sst s2;
	s1 =	sor.u32 s3, s31  }
0x5: {  	s8 =	ssub.s32 $0x2, s3;
	s9 =	smul.u32 $0x64000, s3;
	s3 =	sadd.s32 $0xF46800, s4  }
0x6: {  	s5 =	smul.u32 $0x190, s1;
	s1 =	rddreg [dreg:$0x2];
	s10 =	sshrl.u32 s8, $0x1  }
0x7: {  	_ =	strace $0x8000004A;
	s8 =	ssub.s32 s8, s10;
	s7 =	sadd.s32 s9, s7  }
0x8: {  	s9 =	simm.s32 $0xC80;
	s10 =	simm.s32 $0x1;
	s5 =	sadd.s32 s5, s4  }
0x9: {  	s7 =	sshrl.u32 s7, $0x3;
	s4 =	sadd.s32 $0x191200, s5;
	s5 =	smax.u32 s8, $0x1  }
0xa: {  	s6 =	sadd.s32 s7, s6;
	s7 =	simm.s32 $0x2;
	s8 =	simm.s32 $0x80  }
.LBB2_1:
0xb: {  	[tilespmem:s2], [sflag:$0x2] =	stream.linear.gather [hbm4b:s4+s2], $0xC80, $0x38;
	[tilespmem:$0x4C80] =	vst v63  }
0xc: {  	_ =	swait.ge [sflag:s7], $0xC80  }
0xd: {  	[sflag:s7] =	ssyncset.done $0x0  }
0xe: {  	s12 =	simm.s32 $0x0;
	[sflag:s7] =	ssyncadd.s32 $0xFFFFF380  }
0xf: {  	[tilespmem:s9], [sflag:$0x1] =	stream.indirect.gather [hbm4b:s3+s8], $0x80, s12, s8, $0xb8;
	[tilespmem:$0x4C80] =	vst v63  }
0x10: {  	_ =	swait.ge [sflag:s10], $0x4000  }
0x11: {  	[sflag:s10] =	ssyncset.done $0x0  }
0x12: {  	[sflag:s10] =	ssyncadd.s32 $0xFFFFC000  }
0x13: {  	[hbm4b:s6+s2] =	stream.linear.scatter [tilespmem:s9], [sflag:$0x2], $0x4000, $0x38;
	[tilespmem:$0x4C80] =	vst v63  }
0x14: {  	s13 =	simm.s32 $0x200;
	_ =	swait.ge [sflag:s7], $0x4000  }
0x15: {  	s14 =	simm.s32 $0x400;
	s12 =	sadd.s32 $0x800, s6;
	[sflag:s7] =	ssyncset.done $0x0  }
.LBB2_2:
0x16: {  	s15 =	sshra.s32 s13, $0x2  }
0x17: {  	[sflag:s7] =	ssyncadd.s32 $0xFFFFC000;
	s13 =	smov.u32 s14;
	s16 =	sadd.s32 $0x200, s14  }
0x18: {  	[tilespmem:s9], [sflag:$0x1] =	stream.indirect.gather [hbm4b:s3+s8], $0x80, s15, s8, $0xb8;
	[tilespmem:$0x4C80] =	vst v63  }
0x19: {  	p0 =	sne.s32 s14, $0x3000;
	_ =	swait.ge [sflag:s10], $0x4000  }
.Ltmp0:
0x1a: {  	[sflag:s10] =	ssyncset.done $0x0;
	(pc) =	sbr.rel @p0 .LBB2_2-.Ltmp0, $4  }
0x1b: {  	[sflag:s10] =	ssyncadd.s32 $0xFFFFC000  }
0x1c: {  	[hbm4b:s12+s2] =	stream.linear.scatter [tilespmem:s9], [sflag:$0x2], $0x4000, $0x38;
	[tilespmem:$0x4C80] =	vst v63  }
0x1d: {  	_ =	swait.ge [sflag:s7], $0x4000  }
0x1e: {  	s14 =	smov.u32 s16;
	s12 =	sadd.s32 $0x800, s12;
	[sflag:s7] =	ssyncset.done $0x0  }
0x1f: {  	s13 =	sshra.s32 s13, $0x2;
	[sflag:s7] =	ssyncadd.s32 $0xFFFFC000  }
0x20: {  	[tilespmem:s9], [sflag:$0x1] =	stream.indirect.gather [hbm4b:s3+s8], $0x80, s13, s8, $0xb8;
	[tilespmem:$0x4C80] =	vst v63  }
0x21: {  	s11 =	sadd.s32 $0x1, s11;
	_ =	swait.ge [sflag:s10], $0x4000  }
0x22: {  	p0 =	sne.s32 s11, s5;
	[sflag:s10] =	ssyncset.done $0x0  }
.Ltmp1:
0x23: {  	[sflag:s10] =	ssyncadd.s32 $0xFFFFC000;
	(pc) =	sbr.rel @p0 .LBB2_1-.Ltmp1, $4  }
0x24: {  	[hbm4b:s12+s2] =	stream.linear.scatter [tilespmem:s9], [sflag:$0x2], $0x4000, $0x38;
	[tilespmem:$0x4C80] =	vst v63  }
0x25: {  	_ =	swait.ge [sflag:s7], $0x4000  }
0x26: {  	[sflag:s7] =	ssyncset.done $0x0  }
0x27: {  	[sflag:s7] =	ssyncadd.s32 $0xFFFFC000  }
0x28: {  	_ =	sfence.sel $0x180000  }
0x29: {  	[bflag:$0x0] =	sbarrier.arrive $0xFFFF  }
0x2a: {  	p0 =	sne.s32 s0, $0x0;
	_ =	strace $0x9000004A  }
0x2b: {  	s0 =	sadd.s32 @!p0 $0x100000, s1;
	[bflag:$0x2] =	sbarrier.arrive $0xFFFF  }
0x2c: {  	[sflag:s0] =	ssyncadd.tile.s32 @!p0 $0x1;
	_ =	shalt  }
.Lfunc_end2:
_tile_overlayer_lowered:
.L_overlay_start_2:
0x2d: {  	(tag) =	ssettag $0x2  }
0x2e: {  	s0 =	rddreg [dreg:$0x0];
	s2 =	stileid.u32  }
0x2f: {  	s1 =	rddreg [dreg:$0x1];
	p0 =	sne.s32 s2, $0x0  }
0x30: {  	s3 =	rddreg [dreg:$0x2];
	[bflag:$0x3] =	sbarrier.arrive $0xFFFF;
	s2 =	simm.s32 @!p0 $0x1C02  }
0x31: {  	[timem:s3], [sflag:s2] =	dma.local @!p0 [hbm:s0], s1  }
0x32: {  	s0 =	simm.s32 @!p0 $0x2  }
0x33: {  	_ =	swait.ge @!p0 [sflag:s0], s1  }
0x34: {  	s1 =	ssub.s32 @!p0 $0x0, s1;
	[sflag:s0] =	ssyncset.done @!p0 $0x0  }
0x35: {  	[sflag:s0] =	ssyncadd.s32 @!p0 s1  }
0x36: {  	[bflag:$0x3] =	sbarrier.arrive $0xFFFF  }
0x37: {  	_ =	shalt  }

// kernel: kernel.9.cloned.1.call-start
scs
__scs_entry_jumppad:
0x0: {  	(pc) =	sbr.rel $0x88, $3  }
0x1: {  	(tag) =	ssettag $0x0;
	lr =	simm.s32 $0x1  }
0x2: {  	[smem:$0x3F9D] =	sst lr;
	_ =	strace $0xD0000000  }
0x3: {  	_ = 	snop  }
0x4: {  	_ = 	snop  }
0x5: {  	_ = 	snop  }
0x6: {  	_ = 	snop  }
0x7: {  	_ = 	snop  }
__scs_overlays_trampoline_lowered:
0x8: {  	[smem:$0x3FAC] =	sst s0  }
0x9: {  	[smem:$0x3FAD] =	sst s1  }
0xa: {  	[smem:$0x3FAE] =	sst s2  }
0xb: {  	[smem:$0x3FAF] =	sst s3  }
0xc: {  	[smem:$0x3FB0] =	sst s4  }
0xd: {  	[smem:$0x3FB1] =	sst s5  }
0xe: {  	[smem:$0x3FB2] =	sst s6  }
0xf: {  	[smem:$0x3FB3] =	sst s7  }
0x10: {  	[smem:$0x3FB4] =	sst s8  }
0x11: {  	[smem:$0x3FB5] =	sst s9;
	s0 =	simm.s32 @!p0 $0x0  }
0x12: {  	s1 =	sld [smem:$0x3F9B];
	s0 =	simm.s32 @p0 $0x1  }
0x13: {  	[smem:$0x3FB6] =	sst s0;
	s0 =	simm.s32 @!p1 $0x0  }
0x14: {  	s2 =	sld [smem:$0x3F9A];
	s0 =	simm.s32 @p1 $0x1  }
0x15: {  	[smem:$0x3FB7] =	sst s0;
	s0 =	simm.s32 @!p2 $0x0  }
0x16: {  	s3 =	sld [smem:$0x3FDB];
	s0 =	simm.s32 @p2 $0x1  }
0x17: {  	s4 =	simm.s32 $0x1BF5;
	[smem:$0x3FB9] =	sst s0  }
0x18: {  	s0 =	sld [smem:$0x3F9C];
	_ =	swait.ge [sflag:s4], $0x0  }
0x19: {  	s7 =	sld [smem:$0x3F9D]  }
0x1a: {  	s8 =	sadd.s32 $0xFFFFE003, lr  }
0x1b: {  	s9 =	sadd.s32 $0xFFFFFEF7, lr;
	s5 =	simm.s32 $0xFFFFFFFF;
	p2 =	slt.u32 s8, $0xFFFFF086  }
0x1c: {  	p1 =	slt.u32 s9, $0xF7A;
	s5 =	simm.s32 @!p2 $0x0  }
0x1d: {  	s5 =	simm.s32 @p1 $0x1;
	p0 =	seq.s32 s7, s2  }
0x1e: {  	s7 =	smul.u32 @!p0 $0xF7A, s2;
	p2 =	seq.s32 @!p0 s5, $0x0  }
0x1f: {  	s9 =	smul.u32 $0xF7A, s1;
	s8 =	simm.s32 @!p0 $0x1BF5;
	p2 =	por !p2, p0  }
0x20: {  	[sflag:s8] =	ssyncset.s32 @!p0 $0xFFFFF086;
	s6 =	sadd.s32 @!p0 s3, s7;
	s7 =	simm.s32 @!p0 $0x108  }
0x21: {  	s3 =	sadd.s32 s3, s9;
	s6 =	sadd.s32 @!p0 $0x88, s6;
	s7 =	simm.s32 @p2 $0x1082  }
0x22: {  	[simem:s7], [sflag:s8] =	dma.local @!p0 [hbm:s6], $0xF7A  }
0x23: {  	s9 =	sor.u32 $0xD0000000, s2;
	s6 =	simm.s32 $0x108;
	_ =	swait.ge @!p0 [sflag:s8], $0x0  }
0x24: {  	s3 =	sadd.s32 $0x88, s3;
	s6 =	simm.s32 @!p1 $0x1082;
	[sflag:s4] =	ssyncset.s32 $0xFFFFF086  }
0x25: {  	[simem:s6], [sflag:s4] =	dma.local [hbm:s3], $0xF7A  }
0x26: {  	[smem:$0x3F9D] =	sst s1;
	(tag) =	ssettag s2;
	_ =	strace s9  }
0x27: {  	s1 =	sld [smem:$0x3FAD]  }
0x28: {  	s2 =	sld [smem:$0x3FAE]  }
0x29: {  	s4 =	sld [smem:$0x3FB0]  }
0x2a: {  	p0 =	seq.s32 s5, $0x0;
	s5 =	sld [smem:$0x3FB1]  }
0x2b: {  	s6 =	sld [smem:$0x3FB2]  }
0x2c: {  	s7 =	sld [smem:$0x3FB3]  }
0x2d: {  	s3 =	simm.s32 $0x108;
	s8 =	sld [smem:$0x3FB4]  }
0x2e: {  	s3 =	simm.s32 @!p0 $0x1082;
	s9 =	sld [smem:$0x3FB5]  }
0x2f: {  	lr =	sadd.s32 s0, s3;
	s0 =	sld [smem:$0x3FAC]  }
0x30: {  	s3 =	sld [smem:$0x3FAF]  }
0x31: {  	[smem:$0x3FB8] =	sst s10  }
0x32: {  	s10 =	sld [smem:$0x3FB6];
	_ =	sdelay $0x3  }
0x33: {  	p0 =	seq.s32 s10, $0x1;
	s10 =	sld [smem:$0x3FB8];
	_ =	sdelay $0x3  }
0x34: {  	[smem:$0x3FB8] =	sst s10  }
0x35: {  	s10 =	sld [smem:$0x3FB7];
	_ =	sdelay $0x3  }
0x36: {  	p1 =	seq.s32 s10, $0x1;
	s10 =	sld [smem:$0x3FB8];
	_ =	sdelay $0x3  }
0x37: {  	[smem:$0x3FB8] =	sst s10  }
0x38: {  	s10 =	sld [smem:$0x3FB9]  }
0x39: {  	_ = 	snop;
	(pc) =	sbr.ind lr, $3  }
0x3a: {  	_ = 	snop  }
0x3b: {  	_ = 	snop  }
0x3c: {  	p2 =	seq.s32 s10, $0x1;
	s10 =	sld [smem:$0x3FB8]  }
0x3d: {  	_ =	shalt  }
0x3e: {  	_ =	shalt  }
0x3f: {  	_ =	shalt  }
0x40: {  	_ =	shalt  }
0x41: {  	_ =	shalt  }
0x42: {  	_ =	shalt  }
0x43: {  	_ =	shalt  }
0x44: {  	_ =	shalt  }
0x45: {  	_ =	shalt  }
0x46: {  	_ =	shalt  }
0x47: {  	_ =	shalt  }
0x48: {  	_ =	shalt  }
0x49: {  	_ =	shalt  }
0x4a: {  	_ =	shalt  }
0x4b: {  	_ =	shalt  }
0x4c: {  	_ =	shalt  }
0x4d: {  	_ =	shalt  }
0x4e: {  	_ =	shalt  }
0x4f: {  	_ =	shalt  }
0x50: {  	_ =	shalt  }
0x51: {  	_ =	shalt  }
0x52: {  	_ =	shalt  }
0x53: {  	_ =	shalt  }
0x54: {  	_ =	shalt  }
0x55: {  	_ =	shalt  }
0x56: {  	_ =	shalt  }
0x57: {  	_ =	shalt  }
0x58: {  	_ =	shalt  }
0x59: {  	_ =	shalt  }
0x5a: {  	_ =	shalt  }
0x5b: {  	_ =	shalt  }
0x5c: {  	_ =	shalt  }
0x5d: {  	_ =	shalt  }
0x5e: {  	_ =	shalt  }
0x5f: {  	_ =	shalt  }
0x60: {  	_ =	shalt  }
0x61: {  	_ =	shalt  }
0x62: {  	_ =	shalt  }
0x63: {  	_ =	shalt  }
0x64: {  	_ =	shalt  }
0x65: {  	_ =	shalt  }
0x66: {  	_ =	shalt  }
0x67: {  	_ =	shalt  }
0x68: {  	_ =	shalt  }
0x69: {  	_ =	shalt  }
0x6a: {  	_ =	shalt  }
0x6b: {  	_ =	shalt  }
0x6c: {  	_ =	shalt  }
0x6d: {  	_ =	shalt  }
0x6e: {  	_ =	shalt  }
0x6f: {  	_ =	shalt  }
0x70: {  	_ =	shalt  }
0x71: {  	_ =	shalt  }
0x72: {  	_ =	shalt  }
0x73: {  	_ =	shalt  }
0x74: {  	_ =	shalt  }
0x75: {  	_ =	shalt  }
0x76: {  	_ =	shalt  }
0x77: {  	_ =	shalt  }
0x78: {  	_ =	shalt  }
0x79: {  	_ =	shalt  }
0x7a: {  	_ =	shalt  }
0x7b: {  	_ =	shalt  }
0x7c: {  	_ =	shalt  }
0x7d: {  	_ =	shalt  }
0x7e: {  	_ =	shalt  }
0x7f: {  	_ =	shalt  }
0x80: {  	_ =	shalt  }
0x81: {  	_ =	shalt  }
0x82: {  	_ =	shalt  }
0x83: {  	_ =	shalt  }
0x84: {  	_ =	shalt  }
0x85: {  	_ =	shalt  }
0x86: {  	_ =	shalt  }
0x87: {  	_ =	shalt  }
.Lfunc_end0:
.L_simem_size_0:
called_computation.1_lowered:
.L_overlay_start_0:
0x88: {  	s2 =	sld [smem:$0x3FD9]  }
0x89: {  	s3 =	sld [smem:$0x3FFE];
	_ =	sdelay $0x1  }
0x8a: {  	s1 =	srdreg.scid  }
0x8b: {  	s0 =	sand.u32 $0x1, s1  }
0x8c: {  	s16 =	sshll.u32 s0, $0xA;
	s2 =	sadd.s32 s3, s2  }
0x8d: {  	s2 =	sadd.s32 s2, s16  }
0x8e: {  	[smem:$0x3FC4] =	sst s2  }
0x8f: {  	_ = 	snop  }
0x90: {  	(tm) =	ssettm $0x1  }
0x91: {  	s17 =	sld [smem:$0x3FFB];
	_ =	sdelay $0x3  }
0x92: {  	_ =	strace s17  }
0x93: {  	s2 =	sld [smem:$0x3FFC];
	_ =	sdelay $0x3  }
0x94: {  	_ =	strace s2  }
0x95: {  	s2 =	sld [smem:$0x3FFD];
	_ =	sdelay $0x3  }
0x96: {  	_ =	strace s2  }
0x97: {  	_ =	strace $0x8FFFFFFF  }
0x98: {  	s18 =	sld [smem:$0x3FDB];
	_ =	sdelay $0x1  }
0x99: {  	s19 =	simm.s32 $_scs_section_size  }
0x9a: {  	s4 =	simm.s32 $_size__tile_overlayer_lowered;
	s5 =	simm.s32 $_tile_overlayer_lowered  }
0x9b: {  	s22 =	simm.s32 $0x1BFF;
	s21 =	sshll.u32 s5, $0x1;
	s2 =	sadd.s32 s19, s18  }
0x9c: {  	s6 =	simm.s32 $0x0;
	s20 =	sshll.u32 s4, $0x1;
	s4 =	sadd.s32 s21, s2  }
0x9d: {  	[timem:s6], [sflag:s22] =	dma.local [hbm:s4], s20  }
0x9e: {  	_ =	swait.ge [sflag:s22], s20  }
0x9f: {  	s3 =	ssub.s32 $0x0, s20;
	[sflag:s22] =	ssyncset.done $0x0  }
0xa0: {  	[sflag:s22] =	ssyncadd.s32 s3;
	_ =	sdelay $0x1  }
0xa1: {  	s23 =	simm.s32 $0x1B8B  }
0xa2: {  	_ =	swait.ge [sflag:s23], $0x1  }
0xa3: {  	[sflag:s23] =	ssyncset.done $0x0  }
0xa4: {  	s25 =	simm.s32 $0x1B8E;
	s24 =	sld [smem:$0x3FFE];
	[sflag:s23] =	ssyncadd.s32 $0xFFFFFFFF  }
0xa5: {  	s26 =	simm.s32 $execute0_lowered;
	[smem:$0x3FD2] =	sst s25  }
0xa6: {  	s4 =	sshll.u32 s26, $0x1;
	_ =	strace $0x80000046;
	[dreg:$0x1] =	wrdreg $0xFFFFFFFF  }
0xa7: {  	s28 =	simm.s32 $_size_execute0_lowered;
	s2 =	sadd.s32 s2, s4;
	[dreg:$0x0] =	wrdreg $0x0  }
0xa8: {  	s4 =	sshll.u32 s28, $0x1;
	[dreg:$0x2] =	wrdreg s2  }
0xa9: {  	[dreg:$0x3] =	wrdreg s4  }
0xaa: {  	[dreg:$0x4] =	wrdreg $0xC0  }
0xab: {  	_ =	task [dreg:s6], $0x5FFFF  }
0xac: {  	[dreg:$0x1] =	wrdreg $0xFFFFFFFF  }
0xad: {  	[dreg:$0x0] =	wrdreg $0x60  }
0xae: {  	[dreg:$0x2] =	wrdreg s24  }
0xaf: {  	[dreg:$0x3] =	wrdreg $0xA  }
0xb0: {  	_ =	task.clear_ibuf [dreg:s6], $0x4FFFF;
	_ =	strace $0x90000046  }
0xb1: {  	s29 =	simm.s32 $0xA;
	_ =	strace $0x80000048  }
0xb2: {  	_ =	swait.ge [sflag:s29], $0x1  }
0xb3: {  	[sflag:s29] =	ssyncadd.s32 $0xFFFFFFFF  }
0xb4: {  	_ =	strace $0x90000048  }
0xb5: {  	_ =	sfence  }
0xb6: {  	s30 =	sld [smem:$0x0];
	_ =	sdelay $0x2  }
0xb7: {  	s31 =	sshll.u32 s1, $0xD;
	s1 =	sshrl.u32 s1, $0x2  }
0xb8: {  	s3 =	sand.u32 $0x4000, s31;
	s1 =	sadd.s32 s1, s30  }
0xb9: {  	s0 =	sor.u32 s3, s0;
	s1 =	sshll.u32 s1, $0x11  }
0xba: {  	s0 =	sor.u32 s1, s0  }
0xbb: {  	s0 =	sadd.s32 $0x8F2B, s0  }
0xbc: {  	[sflag:s0] =	ssyncadd.remote.s32 $0x1  }
0xbd: {  	_ =	sfence.sel $0xFFFF  }
0xbe: {  	[dreg:$0x0] =	wrdreg $0xFFFFFFFF;
	(pc) =	sbr.abs _section_cstart, $3  }
0xbf: {  	[dreg:$0x1] =	wrdreg $0xFFFFFFFF  }
0xc0: {  	_ =	task.clear_ibuf [dreg:s6], $0x2FFFF;
	_ =	strace $0x9FFFFFFF  }
0xc1: {  	(tm) =	ssettm $0x7FFFFFFF  }
tec
execute0_lowered:
.L_overlay_start_1:
0x0: {  	(tag) =	ssettag $0x1  }
0x1: {  	s1 =	srdreg.scid;
	s0 =	stileid.u32  }
0x2: {  	s4 =	rddreg [dreg:$0x0];
	s2 =	simm.s32 $0x0;
	s9 =	simm.s32 $0xC80  }
0x3: {  	s10 =	simm.s32 $0x1;
	s11 =	simm.s32 $0x0;
	s3 =	sand.u32 $0x1, s1  }
0x4: {  	s30 =	sshll.u32 s0, $0x1;
	s6 =	smul.u32 $0xC8000, s0;
	[smem:$0x7FF] =	sst s2  }
0x5: {  	s1 =	sor.u32 s3, s30;
	s7 =	smul.u32 $0x64000, s3;
	s8 =	ssub.s32 $0x2, s3  }
0x6: {  	s3 =	sadd.s32 $0xF46800, s4;
	s5 =	smul.u32 $0x190, s1;
	s1 =	rddreg [dreg:$0x1]  }
0x7: {  	_ =	strace $0x80000047;
	s31 =	sshrl.u32 s8, $0x1;
	s6 =	sadd.s32 s7, s6  }
0x8: {  	s7 =	ssub.s32 s8, s31;
	s5 =	sadd.s32 s5, s4;
	s6 =	sshrl.u32 s6, $0x3  }
0x9: {  	s8 =	simm.s32 $0x80;
	s6 =	sadd.s32 s6, s4;
	s4 =	sadd.s32 $0xF43600, s5  }
0xa: {  	s5 =	smax.u32 s7, $0x1;
	s7 =	simm.s32 $0x2;
	s6 =	sadd.s32 $0x1200, s6  }
.LBB2_1:
0xb: {  	[tilespmem:s2], [sflag:$0x2] =	stream.linear.gather [hbm4b:s4+s2], $0xC80, $0x38;
	[tilespmem:$0x4C80] =	vst v63  }
0xc: {  	_ =	swait.ge [sflag:s7], $0xC80  }
0xd: {  	[sflag:s7] =	ssyncset.done $0x0  }
0xe: {  	s12 =	simm.s32 $0x0;
	[sflag:s7] =	ssyncadd.s32 $0xFFFFF380  }
0xf: {  	[tilespmem:s9], [sflag:$0x1] =	stream.indirect.gather [hbm4b:s3+s8], $0x80, s12, s8, $0xb8;
	[tilespmem:$0x4C80] =	vst v63  }
0x10: {  	_ =	swait.ge [sflag:s10], $0x4000  }
0x11: {  	[sflag:s10] =	ssyncset.done $0x0  }
0x12: {  	[sflag:s10] =	ssyncadd.s32 $0xFFFFC000  }
0x13: {  	[hbm4b:s6+s2] =	stream.linear.scatter [tilespmem:s9], [sflag:$0x2], $0x4000, $0x38;
	[tilespmem:$0x4C80] =	vst v63  }
0x14: {  	s13 =	simm.s32 $0x200;
	_ =	swait.ge [sflag:s7], $0x4000  }
0x15: {  	s14 =	simm.s32 $0x400;
	s12 =	sadd.s32 $0x800, s6;
	[sflag:s7] =	ssyncset.done $0x0  }
.LBB2_2:
0x16: {  	s15 =	sshra.s32 s13, $0x2  }
0x17: {  	[sflag:s7] =	ssyncadd.s32 $0xFFFFC000;
	s13 =	smov.u32 s14;
	s16 =	sadd.s32 $0x200, s14  }
0x18: {  	[tilespmem:s9], [sflag:$0x1] =	stream.indirect.gather [hbm4b:s3+s8], $0x80, s15, s8, $0xb8;
	[tilespmem:$0x4C80] =	vst v63  }
0x19: {  	p0 =	sne.s32 s14, $0x3000;
	_ =	swait.ge [sflag:s10], $0x4000  }
.Ltmp0:
0x1a: {  	[sflag:s10] =	ssyncset.done $0x0;
	(pc) =	sbr.rel @p0 .LBB2_2-.Ltmp0, $4  }
0x1b: {  	[sflag:s10] =	ssyncadd.s32 $0xFFFFC000  }
0x1c: {  	[hbm4b:s12+s2] =	stream.linear.scatter [tilespmem:s9], [sflag:$0x2], $0x4000, $0x38;
	[tilespmem:$0x4C80] =	vst v63  }
0x1d: {  	_ =	swait.ge [sflag:s7], $0x4000  }
0x1e: {  	s14 =	smov.u32 s16;
	s12 =	sadd.s32 $0x800, s12;
	[sflag:s7] =	ssyncset.done $0x0  }
0x1f: {  	s13 =	sshra.s32 s13, $0x2;
	[sflag:s7] =	ssyncadd.s32 $0xFFFFC000  }
0x20: {  	[tilespmem:s9], [sflag:$0x1] =	stream.indirect.gather [hbm4b:s3+s8], $0x80, s13, s8, $0xb8;
	[tilespmem:$0x4C80] =	vst v63  }
0x21: {  	s11 =	sadd.s32 $0x1, s11;
	_ =	swait.ge [sflag:s10], $0x4000  }
0x22: {  	p0 =	sne.s32 s11, s5;
	[sflag:s10] =	ssyncset.done $0x0  }
.Ltmp1:
0x23: {  	[sflag:s10] =	ssyncadd.s32 $0xFFFFC000;
	(pc) =	sbr.rel @p0 .LBB2_1-.Ltmp1, $4  }
0x24: {  	[hbm4b:s12+s2] =	stream.linear.scatter [tilespmem:s9], [sflag:$0x2], $0x4000, $0x38;
	[tilespmem:$0x4C80] =	vst v63  }
0x25: {  	_ =	swait.ge [sflag:s7], $0x4000  }
0x26: {  	[sflag:s7] =	ssyncset.done $0x0  }
0x27: {  	[sflag:s7] =	ssyncadd.s32 $0xFFFFC000  }
0x28: {  	_ =	sfence.sel $0x180000  }
0x29: {  	[bflag:$0x0] =	sbarrier.arrive $0xFFFF  }
0x2a: {  	p0 =	sne.s32 s0, $0x0;
	_ =	strace $0x90000047  }
0x2b: {  	s0 =	sadd.s32 @!p0 $0x100000, s1;
	[bflag:$0x2] =	sbarrier.arrive $0xFFFF  }
0x2c: {  	[sflag:s0] =	ssyncadd.tile.s32 @!p0 $0x1;
	_ =	shalt  }
.Lfunc_end2:
_tile_overlayer_lowered:
.L_overlay_start_2:
0x2d: {  	(tag) =	ssettag $0x2  }
0x2e: {  	s0 =	rddreg [dreg:$0x0];
	s2 =	stileid.u32  }
0x2f: {  	s1 =	rddreg [dreg:$0x1];
	p0 =	sne.s32 s2, $0x0  }
0x30: {  	s3 =	rddreg [dreg:$0x2];
	[bflag:$0x3] =	sbarrier.arrive $0xFFFF;
	s2 =	simm.s32 @!p0 $0x1C02  }
0x31: {  	[timem:s3], [sflag:s2] =	dma.local @!p0 [hbm:s0], s1  }
0x32: {  	s0 =	simm.s32 @!p0 $0x2  }
0x33: {  	_ =	swait.ge @!p0 [sflag:s0], s1  }
0x34: {  	s1 =	ssub.s32 @!p0 $0x0, s1;
	[sflag:s0] =	ssyncset.done @!p0 $0x0  }
0x35: {  	[sflag:s0] =	ssyncadd.s32 @!p0 s1  }
0x36: {  	[bflag:$0x3] =	sbarrier.arrive $0xFFFF  }
0x37: {  	_ =	shalt  }

</sc_bundles>
